<compile_context>
chip_gen: v7x
topology: tpu7x:2x2x1
jax: 0.10.2.dev20260603
libtpu: 0.0.44.dev20260713+nightly
codegen_flags: <defaults>
</compile_context>

<pallas_src>
import functools
import jax
import jax.numpy as jnp
from jax import lax
from jax.experimental import pallas as pl
from jax.experimental.pallas import tpu as pltpu
from jax.experimental.pallas import tpu_sc as plsc

_MESH = plsc.VectorSubcoreMesh(core_axis_name="c", subcore_axis_name="s")


@functools.partial(
    pl.kernel, mesh=_MESH,
    out_type=jax.ShapeDtypeStruct((32, 16), jnp.float32),
    scratch_types=[
        pltpu.VMEM((16,), jnp.float32),
        pltpu.SemaphoreType.DMA,
    ],
)
def _sc_min(x_hbm, out_hbm, mbuf, sem):
    c = lax.axis_index("c")
    s_ = lax.axis_index("s")
    wid = s_ * 2 + c
    pltpu.async_copy(x_hbm.at[wid], mbuf, sem).wait()
    mbuf[...] = mbuf[...] + 1.0
    pltpu.sync_copy(mbuf, out_hbm.at[wid])


@jax.jit
def _run(x, W, reputation_scores, expert_loads, expert_counts,
         total_routing_decisions):
    B, S, H = x.shape
    T = B * S
    x2 = x.reshape(T, H)
    sc_out = _sc_min(x2[:32, :16])
    w = jnp.zeros((T, 2), jnp.float32).reshape(B, S, 2)
    idx = jnp.zeros((B, S, 2), jnp.int32)
    return (w, idx, sc_out[0, 0] * 0.0)


def kernel(*args):
    return _run(*args)

# --- scband reference (transcript-rebuilt; emitter-appended) ---
"""Pipeline reference for scband-rdesirouter-25348896981064 (READ-ONLY COPY).

The authoritative reference and input builder live on the scoring server;
editing this copy changes nothing except your own understanding.
"""

import jax, jax.numpy as jnp
import numpy as np

HIDDEN = 2048
NUM_EXPERTS = 16
TOP_K = 2
BETA = 0.1
GAMMA = 0.1
EXPLORATION_C = 0.1
LOAD_EMA_ALPHA = 0.9


def setup_inputs(seed: int = 0) -> dict:
    key = jax.random.key(seed)
    k1, k2 = jax.random.split(key)
    x = jax.random.normal(k1, (4, 2048, HIDDEN), dtype=jnp.float32)
    bound = 1.0 / np.sqrt(HIDDEN)
    W = jax.random.uniform(k2, (NUM_EXPERTS, HIDDEN), minval=-bound, maxval=bound, dtype=jnp.float32)
    reputation_scores = jnp.zeros((NUM_EXPERTS,), dtype=jnp.float32)
    expert_loads = jnp.zeros((NUM_EXPERTS,), dtype=jnp.float32)
    expert_counts = jnp.zeros((NUM_EXPERTS,), dtype=jnp.float32)
    total_routing_decisions = jnp.array(0.0, dtype=jnp.float32)
    return {
        'x': x,
        'W': W,
        'reputation_scores': reputation_scores,
        'expert_loads': expert_loads,
        'expert_counts': expert_counts,
        'total_routing_decisions': total_routing_decisions,
    }


def reference(x, W, reputation_scores, expert_loads, expert_counts, total_routing_decisions):
    B, S, H = x.shape
    x_reshaped = x.reshape(-1, H)
    base_logits = x_reshaped @ W.T  # [T, E]
    # current_batch_assignments is None -> current_loads = expert_loads
    current_loads = expert_loads
    updated_loads = LOAD_EMA_ALPHA * current_loads + (1.0 - LOAD_EMA_ALPHA) * expert_loads
    # exploration bonus (UCB-style)
    epsilon = 1e-10
    exploration_term = EXPLORATION_C * jnp.sqrt(jnp.log(total_routing_decisions + 1.0) / (expert_counts[None, :] + epsilon))
    exploration_bonus = jnp.broadcast_to(exploration_term, base_logits.shape)
    selection_scores = base_logits + BETA * reputation_scores[None, :] - GAMMA * updated_loads[None, :] + exploration_bonus
    top_k_scores, top_k_indices = jax.lax.top_k(selection_scores, TOP_K)
    routing_weights = jax.nn.softmax(top_k_scores, axis=-1)
    routing_weights = routing_weights.reshape(B, S, TOP_K)
    expert_indices = top_k_indices.reshape(B, S, TOP_K)
    # differentiable load-balancing aux loss
    router_probs = jax.nn.softmax(selection_scores.astype(jnp.float32), axis=-1)
    flat_expert_indices = expert_indices.reshape(-1, TOP_K)
    expert_gate = jax.nn.one_hot(flat_expert_indices, NUM_EXPERTS, dtype=jnp.float32).sum(axis=1)  # [T, E]
    tokens_per_expert = jnp.mean(expert_gate, axis=0)
    router_prob_per_expert = jnp.mean(router_probs, axis=0)
    aux_loss = (tokens_per_expert * router_prob_per_expert).sum() * NUM_EXPERTS
    return (routing_weights, expert_indices, aux_loss)

if __name__ == "__main__":
    import jax
    _d = setup_inputs()
    print(jax.jit(kernel)(*tuple(_d.values())))

</pallas_src>

<mosaic_0001>
#map = affine_map<(d0, d1) -> (0, 0)>
module attributes {stable_mosaic.version = 14 : i64} {
  func.func @_sc_min(%arg0: i32, %arg1: i32, %arg2: memref<32x16xf32, #tpu.memory_space<hbm>>, %arg3: memref<32x16xf32, #tpu.memory_space<hbm>>, %arg4: memref<16xf32, #tpu.memory_space<vmem>>, %arg5: memref<!tpu.dma_semaphore, #tpu.memory_space<semaphore_mem>>) attributes {dimension_semantics = [#tpu.dimension_semantics<core_parallel>, #tpu.dimension_semantics<subcore_parallel>], iteration_bounds = array<i64: 2, 16>, scalar_prefetch = 0 : i64, scratch_operands = 2 : i64, tpu.core_type = #tpu.core_type<sc_vector_subcore>, window_params = [{transform_indices = #map}, {transform_indices = #map}]} {
    %mul3A = arith.constant 2 : i32
    %mul3A_0 = arith.muli %arg1, %mul3A : i32
    %add3A = arith.addi %mul3A_0, %arg0 : i32
    %dma_start3A = arith.constant 0 : i32
    %dma_start3A_1 = tpu.memref_slice %arg2[%add3A, %dma_start3A] : memref<32x16xf32, #tpu.memory_space<hbm>> -> memref<1x16xf32, #tpu.memory_space<hbm>>
    %dma_start3A_2 = tpu.memref_squeeze %dma_start3A_1 : memref<1x16xf32, #tpu.memory_space<hbm>> -> memref<16xf32, #tpu.memory_space<hbm>>
    %dma_start3A_3 = arith.constant 0 : i32
    %dma_start3A_4 = tpu.memref_slice %arg2[%add3A, %dma_start3A_3] : memref<32x16xf32, #tpu.memory_space<hbm>> -> memref<1x16xf32, #tpu.memory_space<hbm>>
    %dma_start3A_5 = tpu.memref_squeeze %dma_start3A_4 : memref<1x16xf32, #tpu.memory_space<hbm>> -> memref<16xf32, #tpu.memory_space<hbm>>
    tpu.enqueue_dma source(%dma_start3A_5 : memref<16xf32, #tpu.memory_space<hbm>>) target(%arg4 : memref<16xf32, #tpu.memory_space<vmem>>) target_semaphore(%arg5 : memref<!tpu.dma_semaphore, #tpu.memory_space<semaphore_mem>>)
    %dma_wait3A = arith.constant 0 : i32
    %dma_wait3A_6 = tpu.memref_slice %arg2[%add3A, %dma_wait3A] : memref<32x16xf32, #tpu.memory_space<hbm>> -> memref<1x16xf32, #tpu.memory_space<hbm>>
    %dma_wait3A_7 = tpu.memref_squeeze %dma_wait3A_6 : memref<1x16xf32, #tpu.memory_space<hbm>> -> memref<16xf32, #tpu.memory_space<hbm>>
    %dma_wait3A_8 = arith.constant 0 : i32
    %dma_wait3A_9 = tpu.memref_slice %arg2[%add3A, %dma_wait3A_8] : memref<32x16xf32, #tpu.memory_space<hbm>> -> memref<1x16xf32, #tpu.memory_space<hbm>>
    %dma_wait3A_10 = tpu.memref_squeeze %dma_wait3A_9 : memref<1x16xf32, #tpu.memory_space<hbm>> -> memref<16xf32, #tpu.memory_space<hbm>>
    tpu.wait_dma2 semaphore(%arg5 : memref<!tpu.dma_semaphore, #tpu.memory_space<semaphore_mem>>) src(%dma_wait3A_10 : memref<16xf32, #tpu.memory_space<hbm>>) dst(%arg4 : memref<16xf32, #tpu.memory_space<vmem>>)
    %get3A = arith.constant 0 : index
    %get3A_11 = tpu.vector_load %arg4[%get3A] {strides = array<i32>} : memref<16xf32, #tpu.memory_space<vmem>>, vector<16xf32>,
    %get3A_12 = vector.shape_cast %get3A_11 : vector<16xf32> to vector<16xf32>
    %add3A_13 = arith.constant 1.000000e+00 : f32
    %add3A_14 = vector.broadcast %add3A_13 : f32 to vector<16xf32>
    %add3A_15 = arith.addf %get3A_12, %add3A_14 : vector<16xf32>
    %swap3A = arith.constant 0 : index
    %swap3A_16 = tpu.vector_load %arg4[%swap3A] {strides = array<i32>} : memref<16xf32, #tpu.memory_space<vmem>>, vector<16xf32>,
    %swap3A_17 = vector.shape_cast %swap3A_16 : vector<16xf32> to vector<16xf32>
    %swap3A_18 = vector.shape_cast %add3A_15 : vector<16xf32> to vector<16xf32>
    tpu.vector_store %arg4[%swap3A], %swap3A_18 {strides = array<i32>} : memref<16xf32, #tpu.memory_space<vmem>>, vector<16xf32>,
    "tpu.region"() ({
      %run_scoped3A = tpu.sem_alloc : memref<!tpu.dma_semaphore, #tpu.memory_space<semaphore_mem>>
      %dma_start3A_19 = arith.constant 0 : i32
      %dma_start3A_20 = tpu.memref_slice %arg3[%add3A, %dma_start3A_19] : memref<32x16xf32, #tpu.memory_space<hbm>> -> memref<1x16xf32, #tpu.memory_space<hbm>>
      %dma_start3A_21 = tpu.memref_squeeze %dma_start3A_20 : memref<1x16xf32, #tpu.memory_space<hbm>> -> memref<16xf32, #tpu.memory_space<hbm>>
      %dma_start3A_22 = arith.constant 0 : i32
      %dma_start3A_23 = tpu.memref_slice %arg3[%add3A, %dma_start3A_22] : memref<32x16xf32, #tpu.memory_space<hbm>> -> memref<1x16xf32, #tpu.memory_space<hbm>>
      %dma_start3A_24 = tpu.memref_squeeze %dma_start3A_23 : memref<1x16xf32, #tpu.memory_space<hbm>> -> memref<16xf32, #tpu.memory_space<hbm>>
      tpu.enqueue_dma source(%arg4 : memref<16xf32, #tpu.memory_space<vmem>>) target(%dma_start3A_24 : memref<16xf32, #tpu.memory_space<hbm>>) target_semaphore(%run_scoped3A : memref<!tpu.dma_semaphore, #tpu.memory_space<semaphore_mem>>)
      %dma_wait3A_25 = arith.constant 0 : i32
      %dma_wait3A_26 = tpu.memref_slice %arg3[%add3A, %dma_wait3A_25] : memref<32x16xf32, #tpu.memory_space<hbm>> -> memref<1x16xf32, #tpu.memory_space<hbm>>
      %dma_wait3A_27 = tpu.memref_squeeze %dma_wait3A_26 : memref<1x16xf32, #tpu.memory_space<hbm>> -> memref<16xf32, #tpu.memory_space<hbm>>
      %dma_wait3A_28 = arith.constant 0 : i32
      %dma_wait3A_29 = tpu.memref_slice %arg3[%add3A, %dma_wait3A_28] : memref<32x16xf32, #tpu.memory_space<hbm>> -> memref<1x16xf32, #tpu.memory_space<hbm>>
      %dma_wait3A_30 = tpu.memref_squeeze %dma_wait3A_29 : memref<1x16xf32, #tpu.memory_space<hbm>> -> memref<16xf32, #tpu.memory_space<hbm>>
      tpu.wait_dma2 semaphore(%run_scoped3A : memref<!tpu.dma_semaphore, #tpu.memory_space<semaphore_mem>>) src(%arg4 : memref<16xf32, #tpu.memory_space<vmem>>) dst(%dma_wait3A_30 : memref<16xf32, #tpu.memory_space<hbm>>)
      tpu.yield
    }) : () -> ()
    return
  }
}

</mosaic_0001>

<sc_bundles>
// kernel: _run.3.cloned.1.call-start
scs
__scs_entry_jumppad:
0x0: {  	(pc) =	sbr.rel $0x88, $3  }
0x1: {  	(tag) =	ssettag $0x0;
	lr =	simm.s32 $0x1  }
0x2: {  	[smem:$0x3FA0] =	sst lr;
	_ =	strace $0xD0000000  }
0x3: {  	_ = 	snop  }
0x4: {  	_ = 	snop  }
0x5: {  	_ = 	snop  }
0x6: {  	_ = 	snop  }
0x7: {  	_ = 	snop  }
__scs_overlays_trampoline_lowered:
0x8: {  	[smem:$0x3FAF] =	sst s0  }
0x9: {  	[smem:$0x3FB0] =	sst s1  }
0xa: {  	[smem:$0x3FB1] =	sst s2  }
0xb: {  	[smem:$0x3FB2] =	sst s3  }
0xc: {  	[smem:$0x3FB3] =	sst s4  }
0xd: {  	[smem:$0x3FB4] =	sst s5  }
0xe: {  	[smem:$0x3FB5] =	sst s6  }
0xf: {  	[smem:$0x3FB6] =	sst s7  }
0x10: {  	[smem:$0x3FB7] =	sst s8  }
0x11: {  	[smem:$0x3FB8] =	sst s9;
	s0 =	simm.s32 @!p0 $0x0  }
0x12: {  	s1 =	sld [smem:$0x3F9E];
	s0 =	simm.s32 @p0 $0x1  }
0x13: {  	[smem:$0x3FB9] =	sst s0;
	s0 =	simm.s32 @!p1 $0x0  }
0x14: {  	s2 =	sld [smem:$0x3F9D];
	s0 =	simm.s32 @p1 $0x1  }
0x15: {  	[smem:$0x3FBA] =	sst s0;
	s0 =	simm.s32 @!p2 $0x0  }
0x16: {  	s3 =	sld [smem:$0x3FDB];
	s0 =	simm.s32 @p2 $0x1  }
0x17: {  	s4 =	simm.s32 $0x1BF5;
	[smem:$0x3FBC] =	sst s0  }
0x18: {  	s0 =	sld [smem:$0x3F9F];
	_ =	swait.ge [sflag:s4], $0x0  }
0x19: {  	s7 =	sld [smem:$0x3FA0]  }
0x1a: {  	s8 =	sadd.s32 $0xFFFFE003, lr  }
0x1b: {  	s9 =	sadd.s32 $0xFFFFFEF7, lr;
	s5 =	simm.s32 $0xFFFFFFFF;
	p2 =	slt.u32 s8, $0xFFFFF086  }
0x1c: {  	p1 =	slt.u32 s9, $0xF7A;
	s5 =	simm.s32 @!p2 $0x0  }
0x1d: {  	s5 =	simm.s32 @p1 $0x1;
	p0 =	seq.s32 s7, s2  }
0x1e: {  	s7 =	smul.u32 @!p0 $0xF7A, s2;
	p2 =	seq.s32 @!p0 s5, $0x0  }
0x1f: {  	s9 =	smul.u32 $0xF7A, s1;
	s8 =	simm.s32 @!p0 $0x1BF5;
	p2 =	por !p2, p0  }
0x20: {  	[sflag:s8] =	ssyncset.s32 @!p0 $0xFFFFF086;
	s6 =	sadd.s32 @!p0 s3, s7;
	s7 =	simm.s32 @!p0 $0x108  }
0x21: {  	s3 =	sadd.s32 s3, s9;
	s6 =	sadd.s32 @!p0 $0x88, s6;
	s7 =	simm.s32 @p2 $0x1082  }
0x22: {  	[simem:s7], [sflag:s8] =	dma.local @!p0 [hbm:s6], $0xF7A  }
0x23: {  	s9 =	sor.u32 $0xD0000000, s2;
	s6 =	simm.s32 $0x108;
	_ =	swait.ge @!p0 [sflag:s8], $0x0  }
0x24: {  	s3 =	sadd.s32 $0x88, s3;
	s6 =	simm.s32 @!p1 $0x1082;
	[sflag:s4] =	ssyncset.s32 $0xFFFFF086  }
0x25: {  	[simem:s6], [sflag:s4] =	dma.local [hbm:s3], $0xF7A  }
0x26: {  	[smem:$0x3FA0] =	sst s1;
	(tag) =	ssettag s2;
	_ =	strace s9  }
0x27: {  	s1 =	sld [smem:$0x3FB0]  }
0x28: {  	s2 =	sld [smem:$0x3FB1]  }
0x29: {  	s4 =	sld [smem:$0x3FB3]  }
0x2a: {  	p0 =	seq.s32 s5, $0x0;
	s5 =	sld [smem:$0x3FB4]  }
0x2b: {  	s6 =	sld [smem:$0x3FB5]  }
0x2c: {  	s7 =	sld [smem:$0x3FB6]  }
0x2d: {  	s3 =	simm.s32 $0x108;
	s8 =	sld [smem:$0x3FB7]  }
0x2e: {  	s3 =	simm.s32 @!p0 $0x1082;
	s9 =	sld [smem:$0x3FB8]  }
0x2f: {  	lr =	sadd.s32 s0, s3;
	s0 =	sld [smem:$0x3FAF]  }
0x30: {  	s3 =	sld [smem:$0x3FB2]  }
0x31: {  	[smem:$0x3FBB] =	sst s10  }
0x32: {  	s10 =	sld [smem:$0x3FB9];
	_ =	sdelay $0x3  }
0x33: {  	p0 =	seq.s32 s10, $0x1;
	s10 =	sld [smem:$0x3FBB];
	_ =	sdelay $0x3  }
0x34: {  	[smem:$0x3FBB] =	sst s10  }
0x35: {  	s10 =	sld [smem:$0x3FBA];
	_ =	sdelay $0x3  }
0x36: {  	p1 =	seq.s32 s10, $0x1;
	s10 =	sld [smem:$0x3FBB];
	_ =	sdelay $0x3  }
0x37: {  	[smem:$0x3FBB] =	sst s10  }
0x38: {  	s10 =	sld [smem:$0x3FBC]  }
0x39: {  	_ = 	snop;
	(pc) =	sbr.ind lr, $3  }
0x3a: {  	_ = 	snop  }
0x3b: {  	_ = 	snop  }
0x3c: {  	p2 =	seq.s32 s10, $0x1;
	s10 =	sld [smem:$0x3FBB]  }
0x3d: {  	_ =	shalt  }
0x3e: {  	_ =	shalt  }
0x3f: {  	_ =	shalt  }
0x40: {  	_ =	shalt  }
0x41: {  	_ =	shalt  }
0x42: {  	_ =	shalt  }
0x43: {  	_ =	shalt  }
0x44: {  	_ =	shalt  }
0x45: {  	_ =	shalt  }
0x46: {  	_ =	shalt  }
0x47: {  	_ =	shalt  }
0x48: {  	_ =	shalt  }
0x49: {  	_ =	shalt  }
0x4a: {  	_ =	shalt  }
0x4b: {  	_ =	shalt  }
0x4c: {  	_ =	shalt  }
0x4d: {  	_ =	shalt  }
0x4e: {  	_ =	shalt  }
0x4f: {  	_ =	shalt  }
0x50: {  	_ =	shalt  }
0x51: {  	_ =	shalt  }
0x52: {  	_ =	shalt  }
0x53: {  	_ =	shalt  }
0x54: {  	_ =	shalt  }
0x55: {  	_ =	shalt  }
0x56: {  	_ =	shalt  }
0x57: {  	_ =	shalt  }
0x58: {  	_ =	shalt  }
0x59: {  	_ =	shalt  }
0x5a: {  	_ =	shalt  }
0x5b: {  	_ =	shalt  }
0x5c: {  	_ =	shalt  }
0x5d: {  	_ =	shalt  }
0x5e: {  	_ =	shalt  }
0x5f: {  	_ =	shalt  }
0x60: {  	_ =	shalt  }
0x61: {  	_ =	shalt  }
0x62: {  	_ =	shalt  }
0x63: {  	_ =	shalt  }
0x64: {  	_ =	shalt  }
0x65: {  	_ =	shalt  }
0x66: {  	_ =	shalt  }
0x67: {  	_ =	shalt  }
0x68: {  	_ =	shalt  }
0x69: {  	_ =	shalt  }
0x6a: {  	_ =	shalt  }
0x6b: {  	_ =	shalt  }
0x6c: {  	_ =	shalt  }
0x6d: {  	_ =	shalt  }
0x6e: {  	_ =	shalt  }
0x6f: {  	_ =	shalt  }
0x70: {  	_ =	shalt  }
0x71: {  	_ =	shalt  }
0x72: {  	_ =	shalt  }
0x73: {  	_ =	shalt  }
0x74: {  	_ =	shalt  }
0x75: {  	_ =	shalt  }
0x76: {  	_ =	shalt  }
0x77: {  	_ =	shalt  }
0x78: {  	_ =	shalt  }
0x79: {  	_ =	shalt  }
0x7a: {  	_ =	shalt  }
0x7b: {  	_ =	shalt  }
0x7c: {  	_ =	shalt  }
0x7d: {  	_ =	shalt  }
0x7e: {  	_ =	shalt  }
0x7f: {  	_ =	shalt  }
0x80: {  	_ =	shalt  }
0x81: {  	_ =	shalt  }
0x82: {  	_ =	shalt  }
0x83: {  	_ =	shalt  }
0x84: {  	_ =	shalt  }
0x85: {  	_ =	shalt  }
0x86: {  	_ =	shalt  }
0x87: {  	_ =	shalt  }
.Lfunc_end0:
.L_simem_size_0:
called_computation_lowered:
.L_overlay_start_0:
0x88: {  	s2 =	sld [smem:$0x3FD9]  }
0x89: {  	s3 =	sld [smem:$0x3FFE];
	_ =	sdelay $0x1  }
0x8a: {  	s1 =	srdreg.scid  }
0x8b: {  	s0 =	sand.u32 $0x1, s1  }
0x8c: {  	s15 =	sshll.u32 s0, $0xA;
	s2 =	sadd.s32 s3, s2  }
0x8d: {  	s2 =	sadd.s32 s2, s15  }
0x8e: {  	[smem:$0x3FC7] =	sst s2  }
0x8f: {  	_ = 	snop  }
0x90: {  	s2 =	sld [smem:$0x3FD0];
	_ =	sdelay $0x2  }
0x91: {  	s16 =	simm.s32 $0xA;
	s4 =	simm.s32 $0x10  }
0x92: {  	[smem:s4], [sflag:s16] =	dma.local [hbm:s2], $0x1  }
0x93: {  	_ =	swait.eq [sflag:s16], $0x1  }
0x94: {  	[sflag:s16] =	ssyncset.done $0x0  }
0x95: {  	s17 =	sld [smem:$0x10];
	[sflag:s16] =	ssyncadd.s32 $0xFFFFFFFF  }
0x96: {  	s18 =	sld [smem:$0x11];
	(tm) =	ssettm $0x1  }
0x97: {  	s19 =	sld [smem:$0x3FFB];
	_ =	sdelay $0x3  }
0x98: {  	_ =	strace s19  }
0x99: {  	s4 =	sld [smem:$0x3FFC];
	_ =	sdelay $0x3  }
0x9a: {  	_ =	strace s4  }
0x9b: {  	s4 =	sld [smem:$0x3FFD];
	_ =	sdelay $0x3  }
0x9c: {  	_ =	strace s4  }
0x9d: {  	_ =	strace $0x8FFFFFFF  }
0x9e: {  	s20 =	sld [smem:$0x3FDB];
	_ =	sdelay $0x1  }
0x9f: {  	s5 =	simm.s32 $_scs_section_size  }
0xa0: {  	s6 =	simm.s32 $_size__tile_overlayer_lowered;
	s7 =	simm.s32 $_tile_overlayer_lowered  }
0xa1: {  	s23 =	simm.s32 $0x1BFF;
	s22 =	sshll.u32 s7, $0x1;
	s4 =	sadd.s32 s5, s20  }
0xa2: {  	s8 =	simm.s32 $0x0;
	s21 =	sshll.u32 s6, $0x1;
	s6 =	sadd.s32 s22, s4  }
0xa3: {  	[timem:s8], [sflag:s23] =	dma.local [hbm:s6], s21  }
0xa4: {  	_ =	swait.ge [sflag:s23], s21  }
0xa5: {  	s5 =	ssub.s32 $0x0, s21;
	[sflag:s23] =	ssyncset.done $0x0  }
0xa6: {  	[sflag:s23] =	ssyncadd.s32 s5;
	_ =	sdelay $0x1  }
0xa7: {  	s24 =	simm.s32 $0x1B8B  }
0xa8: {  	_ =	swait.ge [sflag:s24], $0x1  }
0xa9: {  	[sflag:s24] =	ssyncset.done $0x0  }
0xaa: {  	s25 =	simm.s32 $0x1B8E;
	[sflag:s24] =	ssyncadd.s32 $0xFFFFFFFF  }
0xab: {  	s26 =	simm.s32 $execute0_lowered;
	[smem:$0x3FD2] =	sst s25  }
0xac: {  	s5 =	sshll.u32 s26, $0x1;
	_ =	strace $0x80000046;
	[dreg:$0x1] =	wrdreg $0xFFFFFFFF  }
0xad: {  	s28 =	simm.s32 $_size_execute0_lowered;
	s4 =	sadd.s32 s4, s5;
	[dreg:$0x0] =	wrdreg $0x0  }
0xae: {  	s5 =	sshll.u32 s28, $0x1;
	[dreg:$0x2] =	wrdreg s4  }
0xaf: {  	[dreg:$0x3] =	wrdreg s5  }
0xb0: {  	[dreg:$0x4] =	wrdreg $0xC0  }
0xb1: {  	_ =	task [dreg:s8], $0x5FFFF  }
0xb2: {  	[dreg:$0x1] =	wrdreg $0xFFFFFFFF  }
0xb3: {  	[dreg:$0x0] =	wrdreg $0x60  }
0xb4: {  	[dreg:$0x2] =	wrdreg s18  }
0xb5: {  	[dreg:$0x3] =	wrdreg s17  }
0xb6: {  	[dreg:$0x4] =	wrdreg $0x9  }
0xb7: {  	_ =	task.clear_ibuf [dreg:s8], $0x5FFFF;
	_ =	strace $0x90000046  }
0xb8: {  	s29 =	simm.s32 $0x9;
	_ =	strace $0x80000048  }
0xb9: {  	_ =	swait.ge [sflag:s29], $0x1  }
0xba: {  	[sflag:s29] =	ssyncadd.s32 $0xFFFFFFFF  }
0xbb: {  	_ =	strace $0x90000048  }
0xbc: {  	_ =	sfence  }
0xbd: {  	s30 =	sld [smem:$0x0];
	_ =	sdelay $0x2  }
0xbe: {  	s31 =	sshll.u32 s1, $0xD;
	s1 =	sshrl.u32 s1, $0x2  }
0xbf: {  	s3 =	sand.u32 $0x4000, s31;
	s1 =	sadd.s32 s1, s30  }
0xc0: {  	s0 =	sor.u32 s3, s0;
	s1 =	sshll.u32 s1, $0x11  }
0xc1: {  	s0 =	sor.u32 s1, s0  }
0xc2: {  	s0 =	sadd.s32 $0x8F2B, s0  }
0xc3: {  	[sflag:s0] =	ssyncadd.remote.s32 $0x1  }
0xc4: {  	_ =	sfence.sel $0xFFFF  }
0xc5: {  	[dreg:$0x0] =	wrdreg $0xFFFFFFFF;
	(pc) =	sbr.abs _section_cstart, $3  }
0xc6: {  	[dreg:$0x1] =	wrdreg $0xFFFFFFFF  }
0xc7: {  	_ =	task.clear_ibuf [dreg:s8], $0x2FFFF;
	_ =	strace $0x9FFFFFFF  }
0xc8: {  	(tm) =	ssettm $0x7FFFFFFF  }
0xc9: {  	_ =	shalt  }
tec
execute0_lowered:
.L_overlay_start_1:
0x0: {  	(tag) =	ssettag $0x1  }
0x1: {  	s3 =	rddreg [dreg:$0x0]  }
0x2: {  	s5 =	rddreg [dreg:$0x1];
	s2 =	srdreg.scid  }
0x3: {  	s0 =	rddreg [dreg:$0x2];
	s1 =	stileid.u32;
	s6 =	sand.u32 $0x1, s2  }
0x4: {  	s2 =	simm.s32 $0x0;
	s4 =	sshll.u32 s1, $0x5;
	s7 =	sshll.u32 s6, $0x4  }
0x5: {  	[smem:$0x7FF] =	sst s2;
	s7 =	sor.u32 s7, s4  }
0x6: {  	_ =	strace $0x80000047;
	s4 =	simm.s32 $0x1;
	s3 =	sadd.s32 s3, s7  }
0x7: {  	[tilespmem:s2], [sflag:$0x1] =	stream.linear.gather [hbm4b:s3+s2], $0x80, $0x38;
	[tilespmem:$0x80] =	vst v63  }
0x8: {  	_ =	swait.ge [sflag:s4], $0x80  }
0x9: {  	[sflag:s4] =	ssyncset.done $0x0  }
0xa: {  	[sflag:s4] =	ssyncadd.s32 $0xFFFFFF80  }
0xb: {  	v0 =	vld [tilespmem:$0x0]  }
0xc: {  	s6 =	ssub.s32 $0x2, s6  }
0xd: {  	s8 =	sshrl.u32 s6, $0x1  }
0xe: {  	s6 =	ssub.s32 s6, s8  }
0xf: {  	s31 =	smax.u32 s6, $0x1  }
0x10: {  	p0 =	sne.s32 s31, $0x1;
	v0 =	vadd.f32 $1.000000000e+00, v0  }
.Ltmp0:
0x11: {  	_ = 	snop;
	(pc) =	sbr.rel @!p0 .LBB2_2-.Ltmp0, $4  }
0x12: {  	s5 =	sadd.s32 s5, s7;
	s6 =	simm.s32 $0x2;
	[tilespmem:$0x0] =	vst v0  }
0x13: {  	[hbm4b:s5+s2] =	stream.linear.scatter [tilespmem:s2], [sflag:$0x2], $0x80, $0x38;
	[tilespmem:$0x80] =	vst v63  }
0x14: {  	_ =	swait.ge [sflag:s6], $0x80  }
0x15: {  	s7 =	sadd.s32 $0xFFFFFFFF, s31;
	[sflag:s6] =	ssyncset.done $0x0  }
.LBB2_1:
0x16: {  	p0 =	sne.s32 s7, $0x1;
	s7 =	sadd.s32 $0xFFFFFFFF, s7;
	[sflag:s6] =	ssyncadd.s32 $0xFFFFFF80  }
0x17: {  	[tilespmem:s2], [sflag:$0x1] =	stream.linear.gather [hbm4b:s3+s2], $0x80, $0x38;
	[tilespmem:$0x80] =	vst v63  }
0x18: {  	_ =	swait.ge [sflag:s4], $0x80  }
0x19: {  	[sflag:s4] =	ssyncset.done $0x0  }
0x1a: {  	[sflag:s4] =	ssyncadd.s32 $0xFFFFFF80  }
0x1b: {  	v0 =	vld [tilespmem:$0x0];
	_ =	sdelay $0x4  }
0x1c: {  	v0 =	vadd.f32 $1.000000000e+00, v0  }
.Ltmp1:
0x1d: {  	(pc) =	sbr.rel @p0 .LBB2_1-.Ltmp1, $4  }
0x1e: {  	[tilespmem:$0x0] =	vst v0  }
0x1f: {  	[hbm4b:s5+s2] =	stream.linear.scatter [tilespmem:s2], [sflag:$0x2], $0x80, $0x38;
	[tilespmem:$0x80] =	vst v63  }
0x20: {  	_ =	swait.ge [sflag:s6], $0x80  }
0x21: {  	[sflag:s6] =	ssyncset.done $0x0  }
.LBB2_2:
0x22: {  	[sflag:s6] =	ssyncadd.s32 $0xFFFFFF80  }
0x23: {  	_ =	sfence.sel $0x180000  }
0x24: {  	[bflag:$0x0] =	sbarrier.arrive $0xFFFF  }
0x25: {  	p0 =	sne.s32 s1, $0x0;
	_ =	strace $0x90000047  }
0x26: {  	s0 =	sadd.s32 @!p0 $0x100000, s0;
	[bflag:$0x2] =	sbarrier.arrive $0xFFFF  }
0x27: {  	[sflag:s0] =	ssyncadd.tile.s32 @!p0 $0x1;
	_ =	shalt  }
.Lfunc_end2:
_tile_overlayer_lowered:
.L_overlay_start_2:
0x28: {  	(tag) =	ssettag $0x2  }
0x29: {  	s0 =	rddreg [dreg:$0x0];
	s2 =	stileid.u32  }
0x2a: {  	s1 =	rddreg [dreg:$0x1];
	p0 =	sne.s32 s2, $0x0  }
0x2b: {  	s3 =	rddreg [dreg:$0x2];
	[bflag:$0x3] =	sbarrier.arrive $0xFFFF;
	s2 =	simm.s32 @!p0 $0x1C02  }
0x2c: {  	[timem:s3], [sflag:s2] =	dma.local @!p0 [hbm:s0], s1  }
0x2d: {  	s0 =	simm.s32 @!p0 $0x2  }
0x2e: {  	_ =	swait.ge @!p0 [sflag:s0], s1  }
0x2f: {  	s1 =	ssub.s32 @!p0 $0x0, s1;
	[sflag:s0] =	ssyncset.done @!p0 $0x0  }
0x30: {  	[sflag:s0] =	ssyncadd.s32 @!p0 s1  }
0x31: {  	[bflag:$0x3] =	sbarrier.arrive $0xFFFF  }
0x32: {  	_ =	shalt  }

</sc_bundles>
